<compile_context>
chip_gen: v7x
topology: tpu7x:2x2x1
jax: 0.10.2.dev20260603
libtpu: 0.0.44.dev20260713+nightly
codegen_flags: <defaults>
</compile_context>

<pallas_src>
import functools

import jax
import jax.numpy as jnp
from jax import lax
from jax.experimental import pallas as pl
from jax.experimental.pallas import tpu as pltpu
from jax.experimental.pallas import tpu_sc as plsc

_NW = 32
_SPAN = 125_000
_CH = 24_960
_NCH = 5
_TAIL = 200

_mesh = plsc.VectorSubcoreMesh(core_axis_name="c", subcore_axis_name="s")


@functools.partial(
    pl.kernel,
    mesh=_mesh,
    out_type=jax.ShapeDtypeStruct((_NW, 16), jnp.float32),
    scratch_types=[
        pltpu.VMEM((_CH,), jnp.float32),
        pltpu.VMEM((_CH,), jnp.float32),
        pltpu.VMEM((_TAIL,), jnp.float32),
        pltpu.VMEM((16,), jnp.float32),
        pltpu.SemaphoreType.DMA,
        pltpu.SemaphoreType.DMA,
        pltpu.SemaphoreType.DMA,
    ],
)
def _sc_reduce(x_hbm, out_hbm, buf0, buf1, tail_v, acc_v, sem0, sem1, sem2):
    wid = lax.axis_index("s") * 2 + lax.axis_index("c")
    half = wid // 16
    base = (10_000_000 + half * 10_000_000) + (wid % 16) * _SPAN
    sems = (sem0, sem1)

    bufs = (buf0, buf1)

    def _start(idx):
        return pltpu.async_copy(
            x_hbm.at[pl.ds(base + idx * _CH, _CH)],
            bufs[idx % 2],
            sems[idx % 2],
        )

    cp = {0: _start(0), 1: _start(1)}
    tail_cp = pltpu.async_copy(
        x_hbm.at[pl.ds(base + _NCH * _CH, _TAIL)], tail_v, sem2
    )

    zeros = jnp.zeros((16,), jnp.float32)
    accs = (zeros, zeros, zeros, zeros)

    for c in range(_NCH):
        cp[c].wait()
        bf = bufs[c % 2]

        def body(i, a, _bf=bf):
            a0, a1, a2, a3 = a
            off = i * 64
            a0 = jnp.maximum(a0, jnp.abs(_bf[pl.ds(off, 16)]))
            a1 = jnp.maximum(a1, jnp.abs(_bf[pl.ds(off + 16, 16)]))
            a2 = jnp.maximum(a2, jnp.abs(_bf[pl.ds(off + 32, 16)]))
            a3 = jnp.maximum(a3, jnp.abs(_bf[pl.ds(off + 48, 16)]))
            return (a0, a1, a2, a3)

        accs = lax.fori_loop(0, _CH // 64, body, accs)
        if c + 2 < _NCH:
            cp[c + 2] = _start(c + 2)

    tail_cp.wait()
    a0, a1, a2, a3 = accs
    for off in (0, 16, 32, 48, 64, 80, 96, 112, 128, 144, 160, 176, 184):
        a0 = jnp.maximum(a0, jnp.abs(tail_v[pl.ds(off, 16)]))
    acc = jnp.maximum(jnp.maximum(a0, a1), jnp.maximum(a2, a3))
    acc_v[...] = acc
    pltpu.sync_copy(acc_v, out_hbm.at[wid])


def kernel(x):
    xf = x.reshape(-1)
    partial = _sc_reduce(xf)
    return jnp.any(partial != 0.0).reshape(1)

# --- scband reference (transcript-rebuilt; emitter-appended) ---
"""Pipeline reference for scband-my-model-61933428414159 (READ-ONLY COPY).

The authoritative reference and input builder live on the scoring server;
editing this copy changes nothing except your own understanding.
"""

import jax, jax.numpy as jnp
import numpy as np

# Fixed buffers from the module:
# mask_rows = [False, True, True]  -> true row indices [1, 2]
# mask_cols = [True, False, False, False, False] -> true col index [0]
# Advanced indexing x2[mask_rows, mask_cols] broadcasts (2,) rows with (1,) cols -> pairs (1,0),(2,0)
ROWS = np.array([1, 2], dtype=np.int32)
COLS = np.array([0, 0], dtype=np.int32)


def setup_inputs(seed: int = 0) -> dict:
    key = jax.random.key(seed)
    x = jax.random.normal(key, (3, 5, 2000000), dtype=jnp.float32)
    return {"x": x}


def reference(x):
    # x1 = x.clone(); masked_rows = x1[mask_rows] returns a COPY in torch,
    # so the in-place write masked_rows[:, 0] = 0 does NOT modify x1.
    x1 = x
    # x2 = x.clone(); x2[mask_rows, mask_cols] = 0 zeroes entries (1,0,:) and (2,0,:)
    x2 = x.at[ROWS, COLS].set(0.0)
    # torch.any(x1 != x2).unsqueeze(0)
    return jnp.any(x1 != x2).reshape(1)

if __name__ == "__main__":
    import jax
    _d = setup_inputs()
    print(jax.jit(kernel)(*tuple(_d.values())))

</pallas_src>

<mosaic_0001>
#map = affine_map<(d0, d1) -> (0)>
#map1 = affine_map<(d0, d1) -> (0, 0)>
module attributes {stable_mosaic.version = 14 : i64} {
  func.func @_sc_reduce(%arg0: i32, %arg1: i32, %arg2: memref<30000000xf32, #tpu.memory_space<hbm>>, %arg3: memref<32x16xf32, #tpu.memory_space<hbm>>, %arg4: memref<24960xf32, #tpu.memory_space<vmem>>, %arg5: memref<24960xf32, #tpu.memory_space<vmem>>, %arg6: memref<200xf32, #tpu.memory_space<vmem>>, %arg7: memref<16xf32, #tpu.memory_space<vmem>>, %arg8: memref<!tpu.dma_semaphore, #tpu.memory_space<semaphore_mem>>, %arg9: memref<!tpu.dma_semaphore, #tpu.memory_space<semaphore_mem>>, %arg10: memref<!tpu.dma_semaphore, #tpu.memory_space<semaphore_mem>>) attributes {dimension_semantics = [#tpu.dimension_semantics<core_parallel>, #tpu.dimension_semantics<subcore_parallel>], iteration_bounds = array<i64: 2, 16>, scalar_prefetch = 0 : i64, scratch_operands = 7 : i64, tpu.core_type = #tpu.core_type<sc_vector_subcore>, window_params = [{transform_indices = #map}, {transform_indices = #map1}]} {
    %mul3A = arith.constant 2 : i32
    %mul3A_0 = arith.muli %arg1, %mul3A : i32
    %add3A = arith.addi %mul3A_0, %arg0 : i32
    %jit3A = arith.constant 16 : i32
    %div3A = arith.divsi %add3A, %jit3A : i32
    %sign3A = arith.constant 0 : i32
    %sign3A_1 = arith.cmpi sgt, %add3A, %sign3A : i32
    %sign3A_2 = arith.extui %sign3A_1 : i1 to i32
    %sign3A_3 = arith.constant 0 : i32
    %sign3A_4 = arith.cmpi slt, %add3A, %sign3A_3 : i32
    %sign3A_5 = arith.extui %sign3A_4 : i1 to i32
    %sign3A_6 = arith.subi %sign3A_2, %sign3A_5 : i32
    %sign3A_7 = arith.constant 0 : i32
    %sign3A_8 = arith.cmpi sgt, %jit3A, %sign3A_7 : i32
    %sign3A_9 = arith.extui %sign3A_8 : i1 to i32
    %sign3A_10 = arith.constant 0 : i32
    %sign3A_11 = arith.cmpi slt, %jit3A, %sign3A_10 : i32
    %sign3A_12 = arith.extui %sign3A_11 : i1 to i32
    %sign3A_13 = arith.subi %sign3A_9, %sign3A_12 : i32
    %ne3A = arith.cmpi ne, %sign3A_6, %sign3A_13 : i32
    %rem3A = arith.remsi %add3A, %jit3A : i32
    %ne3A_14 = arith.constant 0 : i32
    %ne3A_15 = arith.cmpi ne, %rem3A, %ne3A_14 : i32
    %and3A = arith.andi %ne3A, %ne3A_15 : i1
    %sub3A = arith.constant 1 : i32
    %sub3A_16 = arith.subi %div3A, %sub3A : i32
    %select_n3A = arith.select %and3A, %sub3A_16, %div3A : i32
    %mul3A_17 = arith.constant 10000000 : i32
    %mul3A_18 = arith.muli %select_n3A, %mul3A_17 : i32
    %add3A_19 = arith.constant 10000000 : i32
    %add3A_20 = arith.addi %add3A_19, %mul3A_18 : i32
    %jit3A_21 = arith.constant 16 : i32
    %eq3A = arith.constant 0 : i32
    %eq3A_22 = arith.cmpi eq, %jit3A_21, %eq3A : i32
    %jit3A_23 = arith.constant 1 : i32
    %select_n3A_24 = arith.select %eq3A_22, %jit3A_23, %jit3A_21 : i32
    %rem3A_25 = arith.remsi %add3A, %select_n3A_24 : i32
    %ne3A_26 = arith.constant 0 : i32
    %ne3A_27 = arith.cmpi ne, %rem3A_25, %ne3A_26 : i32
    %lt3A = arith.constant 0 : i32
    %lt3A_28 = arith.cmpi slt, %rem3A_25, %lt3A : i32
    %lt3A_29 = arith.constant 0 : i32
    %lt3A_30 = arith.cmpi slt, %select_n3A_24, %lt3A_29 : i32
    %ne3A_31 = arith.xori %lt3A_28, %lt3A_30 : i1
    %and3A_32 = arith.andi %ne3A_31, %ne3A_27 : i1
    %add3A_33 = arith.addi %rem3A_25, %select_n3A_24 : i32
    %select_n3A_34 = arith.select %and3A_32, %add3A_33, %rem3A_25 : i32
    %mul3A_35 = arith.constant 125000 : i32
    %mul3A_36 = arith.muli %select_n3A_34, %mul3A_35 : i32
    %add3A_37 = arith.addi %add3A_20, %mul3A_36 : i32
    %add3A_38 = arith.constant 0 : i32
    %add3A_39 = arith.addi %add3A_37, %add3A_38 : i32
    %dma_start3A = tpu.memref_slice %arg2[%add3A_39] : memref<30000000xf32, #tpu.memory_space<hbm>> -> memref<24960xf32, #tpu.memory_space<hbm>>
    %dma_start3A_40 = tpu.memref_slice %arg2[%add3A_39] : memref<30000000xf32, #tpu.memory_space<hbm>> -> memref<24960xf32, #tpu.memory_space<hbm>>
    tpu.enqueue_dma source(%dma_start3A_40 : memref<24960xf32, #tpu.memory_space<hbm>>) target(%arg4 : memref<24960xf32, #tpu.memory_space<vmem>>) target_semaphore(%arg8 : memref<!tpu.dma_semaphore, #tpu.memory_space<semaphore_mem>>)
    %add3A_41 = arith.constant 24960 : i32
    %add3A_42 = arith.addi %add3A_37, %add3A_41 : i32
    %dma_start3A_43 = tpu.memref_slice %arg2[%add3A_42] : memref<30000000xf32, #tpu.memory_space<hbm>> -> memref<24960xf32, #tpu.memory_space<hbm>>
    %dma_start3A_44 = tpu.memref_slice %arg2[%add3A_42] : memref<30000000xf32, #tpu.memory_space<hbm>> -> memref<24960xf32, #tpu.memory_space<hbm>>
    tpu.enqueue_dma source(%dma_start3A_44 : memref<24960xf32, #tpu.memory_space<hbm>>) target(%arg5 : memref<24960xf32, #tpu.memory_space<vmem>>) target_semaphore(%arg9 : memref<!tpu.dma_semaphore, #tpu.memory_space<semaphore_mem>>)
    %add3A_45 = arith.constant 124800 : i32
    %add3A_46 = arith.addi %add3A_37, %add3A_45 : i32
    %dma_start3A_47 = tpu.memref_slice %arg2[%add3A_46] : memref<30000000xf32, #tpu.memory_space<hbm>> -> memref<200xf32, #tpu.memory_space<hbm>>
    %dma_start3A_48 = tpu.memref_slice %arg2[%add3A_46] : memref<30000000xf32, #tpu.memory_space<hbm>> -> memref<200xf32, #tpu.memory_space<hbm>>
    tpu.enqueue_dma source(%dma_start3A_48 : memref<200xf32, #tpu.memory_space<hbm>>) target(%arg6 : memref<200xf32, #tpu.memory_space<vmem>>) target_semaphore(%arg10 : memref<!tpu.dma_semaphore, #tpu.memory_space<semaphore_mem>>)
    %broadcast_in_dim3A = arith.constant 0.000000e+00 : f32
    %broadcast_in_dim3A_49 = vector.broadcast %broadcast_in_dim3A : f32 to vector<16xf32>
    %dma_wait3A = tpu.memref_slice %arg2[%add3A_39] : memref<30000000xf32, #tpu.memory_space<hbm>> -> memref<24960xf32, #tpu.memory_space<hbm>>
    %dma_wait3A_50 = tpu.memref_slice %arg2[%add3A_39] : memref<30000000xf32, #tpu.memory_space<hbm>> -> memref<24960xf32, #tpu.memory_space<hbm>>
    tpu.wait_dma2 semaphore(%arg8 : memref<!tpu.dma_semaphore, #tpu.memory_space<semaphore_mem>>) src(%dma_wait3A_50 : memref<24960xf32, #tpu.memory_space<hbm>>) dst(%arg4 : memref<24960xf32, #tpu.memory_space<vmem>>)
    %scan3A = arith.constant 0 : i32
    %scan3A_51 = arith.constant 390 : i32
    %scan3A_52 = arith.addi %scan3A, %scan3A_51 : i32
    %scan3A_53 = arith.constant 1 : i32
    %scan3A_54:4 = scf.for %scan3A_170 = %scan3A to %scan3A_52 step %scan3A_53 iter_args(%scan3A_171 = %broadcast_in_dim3A_49, %scan3A_172 = %broadcast_in_dim3A_49, %scan3A_173 = %broadcast_in_dim3A_49, %scan3A_174 = %broadcast_in_dim3A_49) -> (vector<16xf32>, vector<16xf32>, vector<16xf32>, vector<16xf32>)  : i32 {
      %mul3A_175 = arith.constant 64 : i32
      %mul3A_176 = arith.muli %scan3A_170, %mul3A_175 : i32
      %get3A_177 = arith.index_cast %mul3A_176 : i32 to index
      %get3A_178 = tpu.vector_load %arg4[%get3A_177] {strides = array<i32>} : memref<24960xf32, #tpu.memory_space<vmem>>, vector<16xf32>,
      %get3A_179 = vector.shape_cast %get3A_178 : vector<16xf32> to vector<16xf32>
      %abs3A_180 = math.absf %get3A_179 : vector<16xf32>
      %max3A_181 = arith.maximumf %scan3A_171, %abs3A_180 : vector<16xf32>
      %add3A_182 = arith.constant 16 : i32
      %add3A_183 = arith.addi %mul3A_176, %add3A_182 : i32
      %get3A_184 = arith.index_cast %add3A_183 : i32 to index
      %get3A_185 = tpu.vector_load %arg4[%get3A_184] {strides = array<i32>} : memref<24960xf32, #tpu.memory_space<vmem>>, vector<16xf32>,
      %get3A_186 = vector.shape_cast %get3A_185 : vector<16xf32> to vector<16xf32>
      %abs3A_187 = math.absf %get3A_186 : vector<16xf32>
      %max3A_188 = arith.maximumf %scan3A_172, %abs3A_187 : vector<16xf32>
      %add3A_189 = arith.constant 32 : i32
      %add3A_190 = arith.addi %mul3A_176, %add3A_189 : i32
      %get3A_191 = arith.index_cast %add3A_190 : i32 to index
      %get3A_192 = tpu.vector_load %arg4[%get3A_191] {strides = array<i32>} : memref<24960xf32, #tpu.memory_space<vmem>>, vector<16xf32>,
      %get3A_193 = vector.shape_cast %get3A_192 : vector<16xf32> to vector<16xf32>
      %abs3A_194 = math.absf %get3A_193 : vector<16xf32>
      %max3A_195 = arith.maximumf %scan3A_173, %abs3A_194 : vector<16xf32>
      %add3A_196 = arith.constant 48 : i32
      %add3A_197 = arith.addi %mul3A_176, %add3A_196 : i32
      %get3A_198 = arith.index_cast %add3A_197 : i32 to index
      %get3A_199 = tpu.vector_load %arg4[%get3A_198] {strides = array<i32>} : memref<24960xf32, #tpu.memory_space<vmem>>, vector<16xf32>,
      %get3A_200 = vector.shape_cast %get3A_199 : vector<16xf32> to vector<16xf32>
      %abs3A_201 = math.absf %get3A_200 : vector<16xf32>
      %max3A_202 = arith.maximumf %scan3A_174, %abs3A_201 : vector<16xf32>
      scf.yield %max3A_181, %max3A_188, %max3A_195, %max3A_202 : vector<16xf32>, vector<16xf32>, vector<16xf32>, vector<16xf32>
    }
    %scan3A_55 = arith.constant 390 : i32
    %add3A_56 = arith.constant 49920 : i32
    %add3A_57 = arith.addi %add3A_37, %add3A_56 : i32
    %dma_start3A_58 = tpu.memref_slice %arg2[%add3A_57] : memref<30000000xf32, #tpu.memory_space<hbm>> -> memref<24960xf32, #tpu.memory_space<hbm>>
    %dma_start3A_59 = tpu.memref_slice %arg2[%add3A_57] : memref<30000000xf32, #tpu.memory_space<hbm>> -> memref<24960xf32, #tpu.memory_space<hbm>>
    tpu.enqueue_dma source(%dma_start3A_59 : memref<24960xf32, #tpu.memory_space<hbm>>) target(%arg4 : memref<24960xf32, #tpu.memory_space<vmem>>) target_semaphore(%arg8 : memref<!tpu.dma_semaphore, #tpu.memory_space<semaphore_mem>>)
    %dma_wait3A_60 = tpu.memref_slice %arg2[%add3A_42] : memref<30000000xf32, #tpu.memory_space<hbm>> -> memref<24960xf32, #tpu.memory_space<hbm>>
    %dma_wait3A_61 = tpu.memref_slice %arg2[%add3A_42] : memref<30000000xf32, #tpu.memory_space<hbm>> -> memref<24960xf32, #tpu.memory_space<hbm>>
    tpu.wait_dma2 semaphore(%arg9 : memref<!tpu.dma_semaphore, #tpu.memory_space<semaphore_mem>>) src(%dma_wait3A_61 : memref<24960xf32, #tpu.memory_space<hbm>>) dst(%arg5 : memref<24960xf32, #tpu.memory_space<vmem>>)
    %scan3A_62 = arith.constant 0 : i32
    %scan3A_63 = arith.constant 390 : i32
    %scan3A_64 = arith.addi %scan3A_62, %scan3A_63 : i32
    %scan3A_65 = arith.constant 1 : i32
    %scan3A_66:4 = scf.for %scan3A_170 = %scan3A_62 to %scan3A_64 step %scan3A_65 iter_args(%scan3A_171 = %scan3A_54#0, %scan3A_172 = %scan3A_54#1, %scan3A_173 = %scan3A_54#2, %scan3A_174 = %scan3A_54#3) -> (vector<16xf32>, vector<16xf32>, vector<16xf32>, vector<16xf32>)  : i32 {
      %mul3A_175 = arith.constant 64 : i32
      %mul3A_176 = arith.muli %scan3A_170, %mul3A_175 : i32
      %get3A_177 = arith.index_cast %mul3A_176 : i32 to index
      %get3A_178 = tpu.vector_load %arg5[%get3A_177] {strides = array<i32>} : memref<24960xf32, #tpu.memory_space<vmem>>, vector<16xf32>,
      %get3A_179 = vector.shape_cast %get3A_178 : vector<16xf32> to vector<16xf32>
      %abs3A_180 = math.absf %get3A_179 : vector<16xf32>
      %max3A_181 = arith.maximumf %scan3A_171, %abs3A_180 : vector<16xf32>
      %add3A_182 = arith.constant 16 : i32
      %add3A_183 = arith.addi %mul3A_176, %add3A_182 : i32
      %get3A_184 = arith.index_cast %add3A_183 : i32 to index
      %get3A_185 = tpu.vector_load %arg5[%get3A_184] {strides = array<i32>} : memref<24960xf32, #tpu.memory_space<vmem>>, vector<16xf32>,
      %get3A_186 = vector.shape_cast %get3A_185 : vector<16xf32> to vector<16xf32>
      %abs3A_187 = math.absf %get3A_186 : vector<16xf32>
      %max3A_188 = arith.maximumf %scan3A_172, %abs3A_187 : vector<16xf32>
      %add3A_189 = arith.constant 32 : i32
      %add3A_190 = arith.addi %mul3A_176, %add3A_189 : i32
      %get3A_191 = arith.index_cast %add3A_190 : i32 to index
      %get3A_192 = tpu.vector_load %arg5[%get3A_191] {strides = array<i32>} : memref<24960xf32, #tpu.memory_space<vmem>>, vector<16xf32>,
      %get3A_193 = vector.shape_cast %get3A_192 : vector<16xf32> to vector<16xf32>
      %abs3A_194 = math.absf %get3A_193 : vector<16xf32>
      %max3A_195 = arith.maximumf %scan3A_173, %abs3A_194 : vector<16xf32>
      %add3A_196 = arith.constant 48 : i32
      %add3A_197 = arith.addi %mul3A_176, %add3A_196 : i32
      %get3A_198 = arith.index_cast %add3A_197 : i32 to index
      %get3A_199 = tpu.vector_load %arg5[%get3A_198] {strides = array<i32>} : memref<24960xf32, #tpu.memory_space<vmem>>, vector<16xf32>,
      %get3A_200 = vector.shape_cast %get3A_199 : vector<16xf32> to vector<16xf32>
      %abs3A_201 = math.absf %get3A_200 : vector<16xf32>
      %max3A_202 = arith.maximumf %scan3A_174, %abs3A_201 : vector<16xf32>
      scf.yield %max3A_181, %max3A_188, %max3A_195, %max3A_202 : vector<16xf32>, vector<16xf32>, vector<16xf32>, vector<16xf32>
    }
    %scan3A_67 = arith.constant 390 : i32
    %add3A_68 = arith.constant 74880 : i32
    %add3A_69 = arith.addi %add3A_37, %add3A_68 : i32
    %dma_start3A_70 = tpu.memref_slice %arg2[%add3A_69] : memref<30000000xf32, #tpu.memory_space<hbm>> -> memref<24960xf32, #tpu.memory_space<hbm>>
    %dma_start3A_71 = tpu.memref_slice %arg2[%add3A_69] : memref<30000000xf32, #tpu.memory_space<hbm>> -> memref<24960xf32, #tpu.memory_space<hbm>>
    tpu.enqueue_dma source(%dma_start3A_71 : memref<24960xf32, #tpu.memory_space<hbm>>) target(%arg5 : memref<24960xf32, #tpu.memory_space<vmem>>) target_semaphore(%arg9 : memref<!tpu.dma_semaphore, #tpu.memory_space<semaphore_mem>>)
    %dma_wait3A_72 = tpu.memref_slice %arg2[%add3A_57] : memref<30000000xf32, #tpu.memory_space<hbm>> -> memref<24960xf32, #tpu.memory_space<hbm>>
    %dma_wait3A_73 = tpu.memref_slice %arg2[%add3A_57] : memref<30000000xf32, #tpu.memory_space<hbm>> -> memref<24960xf32, #tpu.memory_space<hbm>>
    tpu.wait_dma2 semaphore(%arg8 : memref<!tpu.dma_semaphore, #tpu.memory_space<semaphore_mem>>) src(%dma_wait3A_73 : memref<24960xf32, #tpu.memory_space<hbm>>) dst(%arg4 : memref<24960xf32, #tpu.memory_space<vmem>>)
    %scan3A_74 = arith.constant 0 : i32
    %scan3A_75 = arith.constant 390 : i32
    %scan3A_76 = arith.addi %scan3A_74, %scan3A_75 : i32
    %scan3A_77 = arith.constant 1 : i32
    %scan3A_78:4 = scf.for %scan3A_170 = %scan3A_74 to %scan3A_76 step %scan3A_77 iter_args(%scan3A_171 = %scan3A_66#0, %scan3A_172 = %scan3A_66#1, %scan3A_173 = %scan3A_66#2, %scan3A_174 = %scan3A_66#3) -> (vector<16xf32>, vector<16xf32>, vector<16xf32>, vector<16xf32>)  : i32 {
      %mul3A_175 = arith.constant 64 : i32
      %mul3A_176 = arith.muli %scan3A_170, %mul3A_175 : i32
      %get3A_177 = arith.index_cast %mul3A_176 : i32 to index
      %get3A_178 = tpu.vector_load %arg4[%get3A_177] {strides = array<i32>} : memref<24960xf32, #tpu.memory_space<vmem>>, vector<16xf32>,
      %get3A_179 = vector.shape_cast %get3A_178 : vector<16xf32> to vector<16xf32>
      %abs3A_180 = math.absf %get3A_179 : vector<16xf32>
      %max3A_181 = arith.maximumf %scan3A_171, %abs3A_180 : vector<16xf32>
      %add3A_182 = arith.constant 16 : i32
      %add3A_183 = arith.addi %mul3A_176, %add3A_182 : i32
      %get3A_184 = arith.index_cast %add3A_183 : i32 to index
      %get3A_185 = tpu.vector_load %arg4[%get3A_184] {strides = array<i32>} : memref<24960xf32, #tpu.memory_space<vmem>>, vector<16xf32>,
      %get3A_186 = vector.shape_cast %get3A_185 : vector<16xf32> to vector<16xf32>
      %abs3A_187 = math.absf %get3A_186 : vector<16xf32>
      %max3A_188 = arith.maximumf %scan3A_172, %abs3A_187 : vector<16xf32>
      %add3A_189 = arith.constant 32 : i32
      %add3A_190 = arith.addi %mul3A_176, %add3A_189 : i32
      %get3A_191 = arith.index_cast %add3A_190 : i32 to index
      %get3A_192 = tpu.vector_load %arg4[%get3A_191] {strides = array<i32>} : memref<24960xf32, #tpu.memory_space<vmem>>, vector<16xf32>,
      %get3A_193 = vector.shape_cast %get3A_192 : vector<16xf32> to vector<16xf32>
      %abs3A_194 = math.absf %get3A_193 : vector<16xf32>
      %max3A_195 = arith.maximumf %scan3A_173, %abs3A_194 : vector<16xf32>
      %add3A_196 = arith.constant 48 : i32
      %add3A_197 = arith.addi %mul3A_176, %add3A_196 : i32
      %get3A_198 = arith.index_cast %add3A_197 : i32 to index
      %get3A_199 = tpu.vector_load %arg4[%get3A_198] {strides = array<i32>} : memref<24960xf32, #tpu.memory_space<vmem>>, vector<16xf32>,
      %get3A_200 = vector.shape_cast %get3A_199 : vector<16xf32> to vector<16xf32>
      %abs3A_201 = math.absf %get3A_200 : vector<16xf32>
      %max3A_202 = arith.maximumf %scan3A_174, %abs3A_201 : vector<16xf32>
      scf.yield %max3A_181, %max3A_188, %max3A_195, %max3A_202 : vector<16xf32>, vector<16xf32>, vector<16xf32>, vector<16xf32>
    }
    %scan3A_79 = arith.constant 390 : i32
    %add3A_80 = arith.constant 99840 : i32
    %add3A_81 = arith.addi %add3A_37, %add3A_80 : i32
    %dma_start3A_82 = tpu.memref_slice %arg2[%add3A_81] : memref<30000000xf32, #tpu.memory_space<hbm>> -> memref<24960xf32, #tpu.memory_space<hbm>>
    %dma_start3A_83 = tpu.memref_slice %arg2[%add3A_81] : memref<30000000xf32, #tpu.memory_space<hbm>> -> memref<24960xf32, #tpu.memory_space<hbm>>
    tpu.enqueue_dma source(%dma_start3A_83 : memref<24960xf32, #tpu.memory_space<hbm>>) target(%arg4 : memref<24960xf32, #tpu.memory_space<vmem>>) target_semaphore(%arg8 : memref<!tpu.dma_semaphore, #tpu.memory_space<semaphore_mem>>)
    %dma_wait3A_84 = tpu.memref_slice %arg2[%add3A_69] : memref<30000000xf32, #tpu.memory_space<hbm>> -> memref<24960xf32, #tpu.memory_space<hbm>>
    %dma_wait3A_85 = tpu.memref_slice %arg2[%add3A_69] : memref<30000000xf32, #tpu.memory_space<hbm>> -> memref<24960xf32, #tpu.memory_space<hbm>>
    tpu.wait_dma2 semaphore(%arg9 : memref<!tpu.dma_semaphore, #tpu.memory_space<semaphore_mem>>) src(%dma_wait3A_85 : memref<24960xf32, #tpu.memory_space<hbm>>) dst(%arg5 : memref<24960xf32, #tpu.memory_space<vmem>>)
    %scan3A_86 = arith.constant 0 : i32
    %scan3A_87 = arith.constant 390 : i32
    %scan3A_88 = arith.addi %scan3A_86, %scan3A_87 : i32
    %scan3A_89 = arith.constant 1 : i32
    %scan3A_90:4 = scf.for %scan3A_170 = %scan3A_86 to %scan3A_88 step %scan3A_89 iter_args(%scan3A_171 = %scan3A_78#0, %scan3A_172 = %scan3A_78#1, %scan3A_173 = %scan3A_78#2, %scan3A_174 = %scan3A_78#3) -> (vector<16xf32>, vector<16xf32>, vector<16xf32>, vector<16xf32>)  : i32 {
      %mul3A_175 = arith.constant 64 : i32
      %mul3A_176 = arith.muli %scan3A_170, %mul3A_175 : i32
      %get3A_177 = arith.index_cast %mul3A_176 : i32 to index
      %get3A_178 = tpu.vector_load %arg5[%get3A_177] {strides = array<i32>} : memref<24960xf32, #tpu.memory_space<vmem>>, vector<16xf32>,
      %get3A_179 = vector.shape_cast %get3A_178 : vector<16xf32> to vector<16xf32>
      %abs3A_180 = math.absf %get3A_179 : vector<16xf32>
      %max3A_181 = arith.maximumf %scan3A_171, %abs3A_180 : vector<16xf32>
      %add3A_182 = arith.constant 16 : i32
      %add3A_183 = arith.addi %mul3A_176, %add3A_182 : i32
      %get3A_184 = arith.index_cast %add3A_183 : i32 to index
      %get3A_185 = tpu.vector_load %arg5[%get3A_184] {strides = array<i32>} : memref<24960xf32, #tpu.memory_space<vmem>>, vector<16xf32>,
      %get3A_186 = vector.shape_cast %get3A_185 : vector<16xf32> to vector<16xf32>
      %abs3A_187 = math.absf %get3A_186 : vector<16xf32>
      %max3A_188 = arith.maximumf %scan3A_172, %abs3A_187 : vector<16xf32>
      %add3A_189 = arith.constant 32 : i32
      %add3A_190 = arith.addi %mul3A_176, %add3A_189 : i32
      %get3A_191 = arith.index_cast %add3A_190 : i32 to index
      %get3A_192 = tpu.vector_load %arg5[%get3A_191] {strides = array<i32>} : memref<24960xf32, #tpu.memory_space<vmem>>, vector<16xf32>,
      %get3A_193 = vector.shape_cast %get3A_192 : vector<16xf32> to vector<16xf32>
      %abs3A_194 = math.absf %get3A_193 : vector<16xf32>
      %max3A_195 = arith.maximumf %scan3A_173, %abs3A_194 : vector<16xf32>
      %add3A_196 = arith.constant 48 : i32
      %add3A_197 = arith.addi %mul3A_176, %add3A_196 : i32
      %get3A_198 = arith.index_cast %add3A_197 : i32 to index
      %get3A_199 = tpu.vector_load %arg5[%get3A_198] {strides = array<i32>} : memref<24960xf32, #tpu.memory_space<vmem>>, vector<16xf32>,
      %get3A_200 = vector.shape_cast %get3A_199 : vector<16xf32> to vector<16xf32>
      %abs3A_201 = math.absf %get3A_200 : vector<16xf32>
      %max3A_202 = arith.maximumf %scan3A_174, %abs3A_201 : vector<16xf32>
      scf.yield %max3A_181, %max3A_188, %max3A_195, %max3A_202 : vector<16xf32>, vector<16xf32>, vector<16xf32>, vector<16xf32>
    }
    %scan3A_91 = arith.constant 390 : i32
    %dma_wait3A_92 = tpu.memref_slice %arg2[%add3A_81] : memref<30000000xf32, #tpu.memory_space<hbm>> -> memref<24960xf32, #tpu.memory_space<hbm>>
    %dma_wait3A_93 = tpu.memref_slice %arg2[%add3A_81] : memref<30000000xf32, #tpu.memory_space<hbm>> -> memref<24960xf32, #tpu.memory_space<hbm>>
    tpu.wait_dma2 semaphore(%arg8 : memref<!tpu.dma_semaphore, #tpu.memory_space<semaphore_mem>>) src(%dma_wait3A_93 : memref<24960xf32, #tpu.memory_space<hbm>>) dst(%arg4 : memref<24960xf32, #tpu.memory_space<vmem>>)
    %scan3A_94 = arith.constant 0 : i32
    %scan3A_95 = arith.constant 390 : i32
    %scan3A_96 = arith.addi %scan3A_94, %scan3A_95 : i32
    %scan3A_97 = arith.constant 1 : i32
    %scan3A_98:4 = scf.for %scan3A_170 = %scan3A_94 to %scan3A_96 step %scan3A_97 iter_args(%scan3A_171 = %scan3A_90#0, %scan3A_172 = %scan3A_90#1, %scan3A_173 = %scan3A_90#2, %scan3A_174 = %scan3A_90#3) -> (vector<16xf32>, vector<16xf32>, vector<16xf32>, vector<16xf32>)  : i32 {
      %mul3A_175 = arith.constant 64 : i32
      %mul3A_176 = arith.muli %scan3A_170, %mul3A_175 : i32
      %get3A_177 = arith.index_cast %mul3A_176 : i32 to index
      %get3A_178 = tpu.vector_load %arg4[%get3A_177] {strides = array<i32>} : memref<24960xf32, #tpu.memory_space<vmem>>, vector<16xf32>,
      %get3A_179 = vector.shape_cast %get3A_178 : vector<16xf32> to vector<16xf32>
      %abs3A_180 = math.absf %get3A_179 : vector<16xf32>
      %max3A_181 = arith.maximumf %scan3A_171, %abs3A_180 : vector<16xf32>
      %add3A_182 = arith.constant 16 : i32
      %add3A_183 = arith.addi %mul3A_176, %add3A_182 : i32
      %get3A_184 = arith.index_cast %add3A_183 : i32 to index
      %get3A_185 = tpu.vector_load %arg4[%get3A_184] {strides = array<i32>} : memref<24960xf32, #tpu.memory_space<vmem>>, vector<16xf32>,
      %get3A_186 = vector.shape_cast %get3A_185 : vector<16xf32> to vector<16xf32>
      %abs3A_187 = math.absf %get3A_186 : vector<16xf32>
      %max3A_188 = arith.maximumf %scan3A_172, %abs3A_187 : vector<16xf32>
      %add3A_189 = arith.constant 32 : i32
      %add3A_190 = arith.addi %mul3A_176, %add3A_189 : i32
      %get3A_191 = arith.index_cast %add3A_190 : i32 to index
      %get3A_192 = tpu.vector_load %arg4[%get3A_191] {strides = array<i32>} : memref<24960xf32, #tpu.memory_space<vmem>>, vector<16xf32>,
      %get3A_193 = vector.shape_cast %get3A_192 : vector<16xf32> to vector<16xf32>
      %abs3A_194 = math.absf %get3A_193 : vector<16xf32>
      %max3A_195 = arith.maximumf %scan3A_173, %abs3A_194 : vector<16xf32>
      %add3A_196 = arith.constant 48 : i32
      %add3A_197 = arith.addi %mul3A_176, %add3A_196 : i32
      %get3A_198 = arith.index_cast %add3A_197 : i32 to index
      %get3A_199 = tpu.vector_load %arg4[%get3A_198] {strides = array<i32>} : memref<24960xf32, #tpu.memory_space<vmem>>, vector<16xf32>,
      %get3A_200 = vector.shape_cast %get3A_199 : vector<16xf32> to vector<16xf32>
      %abs3A_201 = math.absf %get3A_200 : vector<16xf32>
      %max3A_202 = arith.maximumf %scan3A_174, %abs3A_201 : vector<16xf32>
      scf.yield %max3A_181, %max3A_188, %max3A_195, %max3A_202 : vector<16xf32>, vector<16xf32>, vector<16xf32>, vector<16xf32>
    }
    %scan3A_99 = arith.constant 390 : i32
    %dma_wait3A_100 = tpu.memref_slice %arg2[%add3A_46] : memref<30000000xf32, #tpu.memory_space<hbm>> -> memref<200xf32, #tpu.memory_space<hbm>>
    %dma_wait3A_101 = tpu.memref_slice %arg2[%add3A_46] : memref<30000000xf32, #tpu.memory_space<hbm>> -> memref<200xf32, #tpu.memory_space<hbm>>
    tpu.wait_dma2 semaphore(%arg10 : memref<!tpu.dma_semaphore, #tpu.memory_space<semaphore_mem>>) src(%dma_wait3A_101 : memref<200xf32, #tpu.memory_space<hbm>>) dst(%arg6 : memref<200xf32, #tpu.memory_space<vmem>>)
    %get3A = arith.constant 0 : index
    %get3A_102 = tpu.vector_load %arg6[%get3A] {strides = array<i32>} : memref<200xf32, #tpu.memory_space<vmem>>, vector<16xf32>,
    %get3A_103 = vector.shape_cast %get3A_102 : vector<16xf32> to vector<16xf32>
    %abs3A = math.absf %get3A_103 : vector<16xf32>
    %max3A = arith.maximumf %scan3A_98#0, %abs3A : vector<16xf32>
    %get3A_104 = arith.constant 16 : index
    %get3A_105 = tpu.vector_load %arg6[%get3A_104] {strides = array<i32>} : memref<200xf32, #tpu.memory_space<vmem>>, vector<16xf32>,
    %get3A_106 = vector.shape_cast %get3A_105 : vector<16xf32> to vector<16xf32>
    %abs3A_107 = math.absf %get3A_106 : vector<16xf32>
    %max3A_108 = arith.maximumf %max3A, %abs3A_107 : vector<16xf32>
    %get3A_109 = arith.constant 32 : index
    %get3A_110 = tpu.vector_load %arg6[%get3A_109] {strides = array<i32>} : memref<200xf32, #tpu.memory_space<vmem>>, vector<16xf32>,
    %get3A_111 = vector.shape_cast %get3A_110 : vector<16xf32> to vector<16xf32>
    %abs3A_112 = math.absf %get3A_111 : vector<16xf32>
    %max3A_113 = arith.maximumf %max3A_108, %abs3A_112 : vector<16xf32>
    %get3A_114 = arith.constant 48 : index
    %get3A_115 = tpu.vector_load %arg6[%get3A_114] {strides = array<i32>} : memref<200xf32, #tpu.memory_space<vmem>>, vector<16xf32>,
    %get3A_116 = vector.shape_cast %get3A_115 : vector<16xf32> to vector<16xf32>
    %abs3A_117 = math.absf %get3A_116 : vector<16xf32>
    %max3A_118 = arith.maximumf %max3A_113, %abs3A_117 : vector<16xf32>
    %get3A_119 = arith.constant 64 : index
    %get3A_120 = tpu.vector_load %arg6[%get3A_119] {strides = array<i32>} : memref<200xf32, #tpu.memory_space<vmem>>, vector<16xf32>,
    %get3A_121 = vector.shape_cast %get3A_120 : vector<16xf32> to vector<16xf32>
    %abs3A_122 = math.absf %get3A_121 : vector<16xf32>
    %max3A_123 = arith.maximumf %max3A_118, %abs3A_122 : vector<16xf32>
    %get3A_124 = arith.constant 80 : index
    %get3A_125 = tpu.vector_load %arg6[%get3A_124] {strides = array<i32>} : memref<200xf32, #tpu.memory_space<vmem>>, vector<16xf32>,
    %get3A_126 = vector.shape_cast %get3A_125 : vector<16xf32> to vector<16xf32>
    %abs3A_127 = math.absf %get3A_126 : vector<16xf32>
    %max3A_128 = arith.maximumf %max3A_123, %abs3A_127 : vector<16xf32>
    %get3A_129 = arith.constant 96 : index
    %get3A_130 = tpu.vector_load %arg6[%get3A_129] {strides = array<i32>} : memref<200xf32, #tpu.memory_space<vmem>>, vector<16xf32>,
    %get3A_131 = vector.shape_cast %get3A_130 : vector<16xf32> to vector<16xf32>
    %abs3A_132 = math.absf %get3A_131 : vector<16xf32>
    %max3A_133 = arith.maximumf %max3A_128, %abs3A_132 : vector<16xf32>
    %get3A_134 = arith.constant 112 : index
    %get3A_135 = tpu.vector_load %arg6[%get3A_134] {strides = array<i32>} : memref<200xf32, #tpu.memory_space<vmem>>, vector<16xf32>,
    %get3A_136 = vector.shape_cast %get3A_135 : vector<16xf32> to vector<16xf32>
    %abs3A_137 = math.absf %get3A_136 : vector<16xf32>
    %max3A_138 = arith.maximumf %max3A_133, %abs3A_137 : vector<16xf32>
    %get3A_139 = arith.constant 128 : index
    %get3A_140 = tpu.vector_load %arg6[%get3A_139] {strides = array<i32>} : memref<200xf32, #tpu.memory_space<vmem>>, vector<16xf32>,
    %get3A_141 = vector.shape_cast %get3A_140 : vector<16xf32> to vector<16xf32>
    %abs3A_142 = math.absf %get3A_141 : vector<16xf32>
    %max3A_143 = arith.maximumf %max3A_138, %abs3A_142 : vector<16xf32>
    %get3A_144 = arith.constant 144 : index
    %get3A_145 = tpu.vector_load %arg6[%get3A_144] {strides = array<i32>} : memref<200xf32, #tpu.memory_space<vmem>>, vector<16xf32>,
    %get3A_146 = vector.shape_cast %get3A_145 : vector<16xf32> to vector<16xf32>
    %abs3A_147 = math.absf %get3A_146 : vector<16xf32>
    %max3A_148 = arith.maximumf %max3A_143, %abs3A_147 : vector<16xf32>
    %get3A_149 = arith.constant 160 : index
    %get3A_150 = tpu.vector_load %arg6[%get3A_149] {strides = array<i32>} : memref<200xf32, #tpu.memory_space<vmem>>, vector<16xf32>,
    %get3A_151 = vector.shape_cast %get3A_150 : vector<16xf32> to vector<16xf32>
    %abs3A_152 = math.absf %get3A_151 : vector<16xf32>
    %max3A_153 = arith.maximumf %max3A_148, %abs3A_152 : vector<16xf32>
    %get3A_154 = arith.constant 176 : index
    %get3A_155 = tpu.vector_load %arg6[%get3A_154] {strides = array<i32>} : memref<200xf32, #tpu.memory_space<vmem>>, vector<16xf32>,
    %get3A_156 = vector.shape_cast %get3A_155 : vector<16xf32> to vector<16xf32>
    %abs3A_157 = math.absf %get3A_156 : vector<16xf32>
    %max3A_158 = arith.maximumf %max3A_153, %abs3A_157 : vector<16xf32>
    %get3A_159 = arith.constant 184 : index
    %get3A_160 = tpu.vector_load %arg6[%get3A_159] {strides = array<i32>} : memref<200xf32, #tpu.memory_space<vmem>>, vector<16xf32>,
    %get3A_161 = vector.shape_cast %get3A_160 : vector<16xf32> to vector<16xf32>
    %abs3A_162 = math.absf %get3A_161 : vector<16xf32>
    %max3A_163 = arith.maximumf %max3A_158, %abs3A_162 : vector<16xf32>
    %max3A_164 = arith.maximumf %max3A_163, %scan3A_98#1 : vector<16xf32>
    %max3A_165 = arith.maximumf %scan3A_98#2, %scan3A_98#3 : vector<16xf32>
    %max3A_166 = arith.maximumf %max3A_164, %max3A_165 : vector<16xf32>
    %swap3A = arith.constant 0 : index
    %swap3A_167 = tpu.vector_load %arg7[%swap3A] {strides = array<i32>} : memref<16xf32, #tpu.memory_space<vmem>>, vector<16xf32>,
    %swap3A_168 = vector.shape_cast %swap3A_167 : vector<16xf32> to vector<16xf32>
    %swap3A_169 = vector.shape_cast %max3A_166 : vector<16xf32> to vector<16xf32>
    tpu.vector_store %arg7[%swap3A], %swap3A_169 {strides = array<i32>} : memref<16xf32, #tpu.memory_space<vmem>>, vector<16xf32>,
    "tpu.region"() ({
      %run_scoped3A = tpu.sem_alloc : memref<!tpu.dma_semaphore, #tpu.memory_space<semaphore_mem>>
      %dma_start3A_170 = arith.constant 0 : i32
      %dma_start3A_171 = tpu.memref_slice %arg3[%add3A, %dma_start3A_170] : memref<32x16xf32, #tpu.memory_space<hbm>> -> memref<1x16xf32, #tpu.memory_space<hbm>>
      %dma_start3A_172 = tpu.memref_squeeze %dma_start3A_171 : memref<1x16xf32, #tpu.memory_space<hbm>> -> memref<16xf32, #tpu.memory_space<hbm>>
      %dma_start3A_173 = arith.constant 0 : i32
      %dma_start3A_174 = tpu.memref_slice %arg3[%add3A, %dma_start3A_173] : memref<32x16xf32, #tpu.memory_space<hbm>> -> memref<1x16xf32, #tpu.memory_space<hbm>>
      %dma_start3A_175 = tpu.memref_squeeze %dma_start3A_174 : memref<1x16xf32, #tpu.memory_space<hbm>> -> memref<16xf32, #tpu.memory_space<hbm>>
      tpu.enqueue_dma source(%arg7 : memref<16xf32, #tpu.memory_space<vmem>>) target(%dma_start3A_175 : memref<16xf32, #tpu.memory_space<hbm>>) target_semaphore(%run_scoped3A : memref<!tpu.dma_semaphore, #tpu.memory_space<semaphore_mem>>)
      %dma_wait3A_176 = arith.constant 0 : i32
      %dma_wait3A_177 = tpu.memref_slice %arg3[%add3A, %dma_wait3A_176] : memref<32x16xf32, #tpu.memory_space<hbm>> -> memref<1x16xf32, #tpu.memory_space<hbm>>
      %dma_wait3A_178 = tpu.memref_squeeze %dma_wait3A_177 : memref<1x16xf32, #tpu.memory_space<hbm>> -> memref<16xf32, #tpu.memory_space<hbm>>
      %dma_wait3A_179 = arith.constant 0 : i32
      %dma_wait3A_180 = tpu.memref_slice %arg3[%add3A, %dma_wait3A_179] : memref<32x16xf32, #tpu.memory_space<hbm>> -> memref<1x16xf32, #tpu.memory_space<hbm>>
      %dma_wait3A_181 = tpu.memref_squeeze %dma_wait3A_180 : memref<1x16xf32, #tpu.memory_space<hbm>> -> memref<16xf32, #tpu.memory_space<hbm>>
      tpu.wait_dma2 semaphore(%run_scoped3A : memref<!tpu.dma_semaphore, #tpu.memory_space<semaphore_mem>>) src(%arg7 : memref<16xf32, #tpu.memory_space<vmem>>) dst(%dma_wait3A_181 : memref<16xf32, #tpu.memory_space<hbm>>)
      tpu.yield
    }) : () -> ()
    return
  }
}

</mosaic_0001>

<sc_bundles>
// kernel: kernel.3.cloned.1.call-start
scs
__scs_entry_jumppad:
0x0: {  	(pc) =	sbr.rel $0x88, $3  }
0x1: {  	(tag) =	ssettag $0x0;
	lr =	simm.s32 $0x1  }
0x2: {  	[smem:$0x3FA0] =	sst lr;
	_ =	strace $0xD0000000  }
0x3: {  	_ = 	snop  }
0x4: {  	_ = 	snop  }
0x5: {  	_ = 	snop  }
0x6: {  	_ = 	snop  }
0x7: {  	_ = 	snop  }
__scs_overlays_trampoline_lowered:
0x8: {  	[smem:$0x3FAF] =	sst s0  }
0x9: {  	[smem:$0x3FB0] =	sst s1  }
0xa: {  	[smem:$0x3FB1] =	sst s2  }
0xb: {  	[smem:$0x3FB2] =	sst s3  }
0xc: {  	[smem:$0x3FB3] =	sst s4  }
0xd: {  	[smem:$0x3FB4] =	sst s5  }
0xe: {  	[smem:$0x3FB5] =	sst s6  }
0xf: {  	[smem:$0x3FB6] =	sst s7  }
0x10: {  	[smem:$0x3FB7] =	sst s8  }
0x11: {  	[smem:$0x3FB8] =	sst s9;
	s0 =	simm.s32 @!p0 $0x0  }
0x12: {  	s1 =	sld [smem:$0x3F9E];
	s0 =	simm.s32 @p0 $0x1  }
0x13: {  	[smem:$0x3FB9] =	sst s0;
	s0 =	simm.s32 @!p1 $0x0  }
0x14: {  	s2 =	sld [smem:$0x3F9D];
	s0 =	simm.s32 @p1 $0x1  }
0x15: {  	[smem:$0x3FBA] =	sst s0;
	s0 =	simm.s32 @!p2 $0x0  }
0x16: {  	s3 =	sld [smem:$0x3FDB];
	s0 =	simm.s32 @p2 $0x1  }
0x17: {  	s4 =	simm.s32 $0x1BF5;
	[smem:$0x3FBC] =	sst s0  }
0x18: {  	s0 =	sld [smem:$0x3F9F];
	_ =	swait.ge [sflag:s4], $0x0  }
0x19: {  	s7 =	sld [smem:$0x3FA0]  }
0x1a: {  	s8 =	sadd.s32 $0xFFFFE003, lr  }
0x1b: {  	s9 =	sadd.s32 $0xFFFFFEF7, lr;
	s5 =	simm.s32 $0xFFFFFFFF;
	p2 =	slt.u32 s8, $0xFFFFF086  }
0x1c: {  	p1 =	slt.u32 s9, $0xF7A;
	s5 =	simm.s32 @!p2 $0x0  }
0x1d: {  	s5 =	simm.s32 @p1 $0x1;
	p0 =	seq.s32 s7, s2  }
0x1e: {  	s7 =	smul.u32 @!p0 $0xF7A, s2;
	p2 =	seq.s32 @!p0 s5, $0x0  }
0x1f: {  	s9 =	smul.u32 $0xF7A, s1;
	s8 =	simm.s32 @!p0 $0x1BF5;
	p2 =	por !p2, p0  }
0x20: {  	[sflag:s8] =	ssyncset.s32 @!p0 $0xFFFFF086;
	s6 =	sadd.s32 @!p0 s3, s7;
	s7 =	simm.s32 @!p0 $0x108  }
0x21: {  	s3 =	sadd.s32 s3, s9;
	s6 =	sadd.s32 @!p0 $0x88, s6;
	s7 =	simm.s32 @p2 $0x1082  }
0x22: {  	[simem:s7], [sflag:s8] =	dma.local @!p0 [hbm:s6], $0xF7A  }
0x23: {  	s9 =	sor.u32 $0xD0000000, s2;
	s6 =	simm.s32 $0x108;
	_ =	swait.ge @!p0 [sflag:s8], $0x0  }
0x24: {  	s3 =	sadd.s32 $0x88, s3;
	s6 =	simm.s32 @!p1 $0x1082;
	[sflag:s4] =	ssyncset.s32 $0xFFFFF086  }
0x25: {  	[simem:s6], [sflag:s4] =	dma.local [hbm:s3], $0xF7A  }
0x26: {  	[smem:$0x3FA0] =	sst s1;
	(tag) =	ssettag s2;
	_ =	strace s9  }
0x27: {  	s1 =	sld [smem:$0x3FB0]  }
0x28: {  	s2 =	sld [smem:$0x3FB1]  }
0x29: {  	s4 =	sld [smem:$0x3FB3]  }
0x2a: {  	p0 =	seq.s32 s5, $0x0;
	s5 =	sld [smem:$0x3FB4]  }
0x2b: {  	s6 =	sld [smem:$0x3FB5]  }
0x2c: {  	s7 =	sld [smem:$0x3FB6]  }
0x2d: {  	s3 =	simm.s32 $0x108;
	s8 =	sld [smem:$0x3FB7]  }
0x2e: {  	s3 =	simm.s32 @!p0 $0x1082;
	s9 =	sld [smem:$0x3FB8]  }
0x2f: {  	lr =	sadd.s32 s0, s3;
	s0 =	sld [smem:$0x3FAF]  }
0x30: {  	s3 =	sld [smem:$0x3FB2]  }
0x31: {  	[smem:$0x3FBB] =	sst s10  }
0x32: {  	s10 =	sld [smem:$0x3FB9];
	_ =	sdelay $0x3  }
0x33: {  	p0 =	seq.s32 s10, $0x1;
	s10 =	sld [smem:$0x3FBB];
	_ =	sdelay $0x3  }
0x34: {  	[smem:$0x3FBB] =	sst s10  }
0x35: {  	s10 =	sld [smem:$0x3FBA];
	_ =	sdelay $0x3  }
0x36: {  	p1 =	seq.s32 s10, $0x1;
	s10 =	sld [smem:$0x3FBB];
	_ =	sdelay $0x3  }
0x37: {  	[smem:$0x3FBB] =	sst s10  }
0x38: {  	s10 =	sld [smem:$0x3FBC]  }
0x39: {  	_ = 	snop;
	(pc) =	sbr.ind lr, $3  }
0x3a: {  	_ = 	snop  }
0x3b: {  	_ = 	snop  }
0x3c: {  	p2 =	seq.s32 s10, $0x1;
	s10 =	sld [smem:$0x3FBB]  }
0x3d: {  	_ =	shalt  }
0x3e: {  	_ =	shalt  }
0x3f: {  	_ =	shalt  }
0x40: {  	_ =	shalt  }
0x41: {  	_ =	shalt  }
0x42: {  	_ =	shalt  }
0x43: {  	_ =	shalt  }
0x44: {  	_ =	shalt  }
0x45: {  	_ =	shalt  }
0x46: {  	_ =	shalt  }
0x47: {  	_ =	shalt  }
0x48: {  	_ =	shalt  }
0x49: {  	_ =	shalt  }
0x4a: {  	_ =	shalt  }
0x4b: {  	_ =	shalt  }
0x4c: {  	_ =	shalt  }
0x4d: {  	_ =	shalt  }
0x4e: {  	_ =	shalt  }
0x4f: {  	_ =	shalt  }
0x50: {  	_ =	shalt  }
0x51: {  	_ =	shalt  }
0x52: {  	_ =	shalt  }
0x53: {  	_ =	shalt  }
0x54: {  	_ =	shalt  }
0x55: {  	_ =	shalt  }
0x56: {  	_ =	shalt  }
0x57: {  	_ =	shalt  }
0x58: {  	_ =	shalt  }
0x59: {  	_ =	shalt  }
0x5a: {  	_ =	shalt  }
0x5b: {  	_ =	shalt  }
0x5c: {  	_ =	shalt  }
0x5d: {  	_ =	shalt  }
0x5e: {  	_ =	shalt  }
0x5f: {  	_ =	shalt  }
0x60: {  	_ =	shalt  }
0x61: {  	_ =	shalt  }
0x62: {  	_ =	shalt  }
0x63: {  	_ =	shalt  }
0x64: {  	_ =	shalt  }
0x65: {  	_ =	shalt  }
0x66: {  	_ =	shalt  }
0x67: {  	_ =	shalt  }
0x68: {  	_ =	shalt  }
0x69: {  	_ =	shalt  }
0x6a: {  	_ =	shalt  }
0x6b: {  	_ =	shalt  }
0x6c: {  	_ =	shalt  }
0x6d: {  	_ =	shalt  }
0x6e: {  	_ =	shalt  }
0x6f: {  	_ =	shalt  }
0x70: {  	_ =	shalt  }
0x71: {  	_ =	shalt  }
0x72: {  	_ =	shalt  }
0x73: {  	_ =	shalt  }
0x74: {  	_ =	shalt  }
0x75: {  	_ =	shalt  }
0x76: {  	_ =	shalt  }
0x77: {  	_ =	shalt  }
0x78: {  	_ =	shalt  }
0x79: {  	_ =	shalt  }
0x7a: {  	_ =	shalt  }
0x7b: {  	_ =	shalt  }
0x7c: {  	_ =	shalt  }
0x7d: {  	_ =	shalt  }
0x7e: {  	_ =	shalt  }
0x7f: {  	_ =	shalt  }
0x80: {  	_ =	shalt  }
0x81: {  	_ =	shalt  }
0x82: {  	_ =	shalt  }
0x83: {  	_ =	shalt  }
0x84: {  	_ =	shalt  }
0x85: {  	_ =	shalt  }
0x86: {  	_ =	shalt  }
0x87: {  	_ =	shalt  }
.Lfunc_end0:
.L_simem_size_0:
called_computation_lowered:
.L_overlay_start_0:
0x88: {  	s2 =	sld [smem:$0x3FD9]  }
0x89: {  	s3 =	sld [smem:$0x3FFE];
	_ =	sdelay $0x1  }
0x8a: {  	s1 =	srdreg.scid  }
0x8b: {  	s0 =	sand.u32 $0x1, s1  }
0x8c: {  	s16 =	sshll.u32 s0, $0xA;
	s2 =	sadd.s32 s3, s2  }
0x8d: {  	s2 =	sadd.s32 s2, s16  }
0x8e: {  	[smem:$0x3FC7] =	sst s2  }
0x8f: {  	_ = 	snop  }
0x90: {  	(tm) =	ssettm $0x1  }
0x91: {  	s17 =	sld [smem:$0x3FFB];
	_ =	sdelay $0x3  }
0x92: {  	_ =	strace s17  }
0x93: {  	s2 =	sld [smem:$0x3FFC];
	_ =	sdelay $0x3  }
0x94: {  	_ =	strace s2  }
0x95: {  	s2 =	sld [smem:$0x3FFD];
	_ =	sdelay $0x3  }
0x96: {  	_ =	strace s2  }
0x97: {  	_ =	strace $0x8FFFFFFF  }
0x98: {  	s18 =	sld [smem:$0x3FDB];
	_ =	sdelay $0x1  }
0x99: {  	s19 =	simm.s32 $_scs_section_size  }
0x9a: {  	s4 =	simm.s32 $_size__tile_overlayer_lowered;
	s5 =	simm.s32 $_tile_overlayer_lowered  }
0x9b: {  	s22 =	simm.s32 $0x1BFF;
	s21 =	sshll.u32 s5, $0x1;
	s2 =	sadd.s32 s19, s18  }
0x9c: {  	s6 =	simm.s32 $0x0;
	s20 =	sshll.u32 s4, $0x1;
	s4 =	sadd.s32 s21, s2  }
0x9d: {  	[timem:s6], [sflag:s22] =	dma.local [hbm:s4], s20  }
0x9e: {  	_ =	swait.ge [sflag:s22], s20  }
0x9f: {  	s3 =	ssub.s32 $0x0, s20;
	[sflag:s22] =	ssyncset.done $0x0  }
0xa0: {  	[sflag:s22] =	ssyncadd.s32 s3;
	_ =	sdelay $0x1  }
0xa1: {  	s23 =	simm.s32 $0x1B8B  }
0xa2: {  	_ =	swait.ge [sflag:s23], $0x1  }
0xa3: {  	[sflag:s23] =	ssyncset.done $0x0  }
0xa4: {  	s25 =	simm.s32 $0x1B8E;
	s24 =	sld [smem:$0x3FFE];
	[sflag:s23] =	ssyncadd.s32 $0xFFFFFFFF  }
0xa5: {  	s26 =	simm.s32 $execute0_lowered;
	[smem:$0x3FD2] =	sst s25  }
0xa6: {  	s4 =	sshll.u32 s26, $0x1;
	_ =	strace $0x80000046;
	[dreg:$0x1] =	wrdreg $0xFFFFFFFF  }
0xa7: {  	s28 =	simm.s32 $_size_execute0_lowered;
	s2 =	sadd.s32 s2, s4;
	[dreg:$0x0] =	wrdreg $0x0  }
0xa8: {  	s4 =	sshll.u32 s28, $0x1;
	[dreg:$0x2] =	wrdreg s2  }
0xa9: {  	[dreg:$0x3] =	wrdreg s4  }
0xaa: {  	[dreg:$0x4] =	wrdreg $0xC0  }
0xab: {  	_ =	task [dreg:s6], $0x5FFFF  }
0xac: {  	[dreg:$0x1] =	wrdreg $0xFFFFFFFF  }
0xad: {  	[dreg:$0x0] =	wrdreg $0x60  }
0xae: {  	[dreg:$0x2] =	wrdreg s24  }
0xaf: {  	[dreg:$0x3] =	wrdreg $0x9  }
0xb0: {  	_ =	task.clear_ibuf [dreg:s6], $0x4FFFF;
	_ =	strace $0x90000046  }
0xb1: {  	s29 =	simm.s32 $0x9;
	_ =	strace $0x80000048  }
0xb2: {  	_ =	swait.ge [sflag:s29], $0x1  }
0xb3: {  	[sflag:s29] =	ssyncadd.s32 $0xFFFFFFFF  }
0xb4: {  	_ =	strace $0x90000048  }
0xb5: {  	_ =	sfence  }
0xb6: {  	s30 =	sld [smem:$0x0];
	_ =	sdelay $0x2  }
0xb7: {  	s31 =	sshll.u32 s1, $0xD;
	s1 =	sshrl.u32 s1, $0x2  }
0xb8: {  	s3 =	sand.u32 $0x4000, s31;
	s1 =	sadd.s32 s1, s30  }
0xb9: {  	s0 =	sor.u32 s3, s0;
	s1 =	sshll.u32 s1, $0x11  }
0xba: {  	s0 =	sor.u32 s1, s0  }
0xbb: {  	s0 =	sadd.s32 $0x8F2B, s0  }
0xbc: {  	[sflag:s0] =	ssyncadd.remote.s32 $0x1  }
0xbd: {  	_ =	sfence.sel $0xFFFF  }
0xbe: {  	[dreg:$0x0] =	wrdreg $0xFFFFFFFF;
	(pc) =	sbr.abs _section_cstart, $3  }
0xbf: {  	[dreg:$0x1] =	wrdreg $0xFFFFFFFF  }
0xc0: {  	_ =	task.clear_ibuf [dreg:s6], $0x2FFFF;
	_ =	strace $0x9FFFFFFF  }
0xc1: {  	(tm) =	ssettm $0x7FFFFFFF  }
tec
execute0_lowered:
.L_overlay_start_1:
0x0: {  	(tag) =	ssettag $0x1  }
0x1: {  	s1 =	srdreg.scid;
	s0 =	stileid.u32  }
0x2: {  	s5 =	rddreg [dreg:$0x0];
	s12 =	simm.s32 $0xC300;
	s13 =	simm.s32 $0x1  }
0x3: {  	s14 =	simm.s32 $0x2;
	s4 =	sand.u32 $0x1, s1;
	s30 =	sshll.u32 s0, $0x1  }
0x4: {  	s15 =	simm.s32 $0x3;
	s31 =	sshrl.u32 s0, $0x3;
	s3 =	sor.u32 s4, s30  }
0x5: {  	s1 =	smul.u32 $0x989680, s31;
	s10 =	ssub.s32 $0x2, s4;
	s2 =	sand.u32 $0xF, s3  }
0x6: {  	s3 =	sshll.u32 s3, $0x4;
	s11 =	sshrl.u32 s10, $0x1;
	s2 =	smul.u32 $0x1E848, s2  }
0x7: {  	s16 =	simm.s32 $0xC400;
	s9 =	sadd.s32 s3, s5;
	s10 =	ssub.s32 s10, s11  }
0x8: {  	s11 =	simm.s32 $0x6180;
	s6 =	sadd.s32 s2, s1;
	s2 =	simm.s32 $0x0  }
0x9: {  	s9 =	sadd.s32 $0x393A00, s9;
	s6 =	sshrl.u32 s6, $0x3;
	[smem:$0x7FF] =	sst s2  }
0xa: {  	s1 =	rddreg [dreg:$0x1];
	s8 =	sadd.s32 s5, s6;
	_ =	strace $0x80000047  }
0xb: {  	s17 =	simm.s32 $0x4;
	s3 =	sadd.s32 $0x1312D0, s8;
	s4 =	sadd.s32 $0x131F00, s8  }
0xc: {  	s18 =	simm.s32 $0x0;
	s5 =	sadd.s32 $0x134FC0, s8;
	s6 =	sadd.s32 $0x132B30, s8  }
0xd: {  	s10 =	smax.u32 s10, $0x1;
	s7 =	sadd.s32 $0x133760, s8;
	s8 =	sadd.s32 $0x134390, s8  }
.LBB2_1:
0xe: {  	[tilespmem:s2], [sflag:$0x1] =	stream.linear.gather [hbm4b:s3+s2], $0x6180, $0x38;
	[tilespmem:$0xC480] =	vst v63  }
0xf: {  	_ = 	snop  }
0x10: {  	[tilespmem:s11], [sflag:$0x2] =	stream.linear.gather [hbm4b:s4+s2], $0x6180, $0x38;
	[tilespmem:$0xC480] =	vst v63  }
0x11: {  	_ = 	snop  }
0x12: {  	[tilespmem:s12], [sflag:$0x3] =	stream.linear.gather [hbm4b:s5+s2], $0xC8, $0x38;
	[tilespmem:$0xC480] =	vst v63  }
0x13: {  	_ =	swait.ge [sflag:s13], $0x6180  }
0x14: {  	[sflag:s13] =	ssyncset.done $0x0  }
0x15: {  	s20 =	simm.s32 $0x0;
	[sflag:s13] =	ssyncadd.s32 $0xFFFF9E80  }
0x16: {  	v6 =	vld [tilespmem:s20+$0x30]  }
0x17: {  	v8 =	vld [tilespmem:s20+$0x0]  }
0x18: {  	v0 =	vimm.f32 $0.0e+00;
	v5 =	vld [tilespmem:s20+$0x10]  }
0x19: {  	s19 =	simm.s32 $0x100;
	v1 =	vimm.f32 $0.0e+00;
	v2 =	vimm.f32 $0.0e+00;
	v3 =	vimm.f32 $0.0e+00;
	v7 =	vld [tilespmem:s20+$0x20]  }
.LBB2_2:
0x1a: {  	p0 =	sne.s32 s19, $0x18500  }
.Ltmp0:
0x1b: {  	s20 =	sshra.s32 s19, $0x2;
	s19 =	sadd.s32 $0x100, s19;
	v4 =	vand.u32 $0x7FFFFFFF, v6;
	(pc) =	sbr.rel @p0 .LBB2_2-.Ltmp0, $4  }
0x1c: {  	v6 =	vld [tilespmem:s20+$0x30];
	v9 =	vand.u32 $0x7FFFFFFF, v8;
	v0 =	vmax.f32 v0, v4  }
0x1d: {  	v8 =	vld [tilespmem:s20+$0x0];
	v1 =	vmax.f32 v1, v9;
	v4 =	vand.u32 $0x7FFFFFFF, v5  }
0x1e: {  	v5 =	vld [tilespmem:s20+$0x10];
	v2 =	vmax.f32 v2, v4;
	v4 =	vand.u32 $0x7FFFFFFF, v7  }
0x1f: {  	v7 =	vld [tilespmem:s20+$0x20];
	v3 =	vmax.f32 v3, v4  }
0x20: {  	s19 =	simm.s32 $0x0  }
0x21: {  	[tilespmem:s19], [sflag:$0x1] =	stream.linear.gather [hbm4b:s6+s19], $0x6180, $0x38;
	[tilespmem:$0xC480] =	vst v63  }
0x22: {  	_ =	swait.ge [sflag:s14], $0x6180  }
0x23: {  	[sflag:s14] =	ssyncset.done $0x0  }
0x24: {  	s20 =	simm.s32 $0x0;
	[sflag:s14] =	ssyncadd.s32 $0xFFFF9E80  }
0x25: {  	v4 =	vld [tilespmem:s20+$0x61B0]  }
0x26: {  	v9 =	vand.u32 $0x7FFFFFFF, v6;
	v8 =	vand.u32 $0x7FFFFFFF, v8;
	v6 =	vld [tilespmem:s20+$0x6180]  }
0x27: {  	v0 =	vmax.f32 v0, v9;
	v5 =	vand.u32 $0x7FFFFFFF, v5;
	v9 =	vand.u32 $0x7FFFFFFF, v7;
	v7 =	vld [tilespmem:s20+$0x6190]  }
0x28: {  	s19 =	simm.s32 $0x100;
	v1 =	vmax.f32 v1, v8;
	v2 =	vmax.f32 v2, v5;
	v3 =	vmax.f32 v3, v9;
	v8 =	vld [tilespmem:s20+$0x61A0]  }
.LBB2_4:
0x29: {  	p0 =	sne.s32 s19, $0x18500  }
.Ltmp1:
0x2a: {  	s20 =	sshra.s32 s19, $0x2;
	s19 =	sadd.s32 $0x100, s19;
	v5 =	vand.u32 $0x7FFFFFFF, v4;
	(pc) =	sbr.rel @p0 .LBB2_4-.Ltmp1, $4  }
0x2b: {  	v4 =	vld [tilespmem:s20+$0x61B0];
	v9 =	vand.u32 $0x7FFFFFFF, v6;
	v0 =	vmax.f32 v0, v5  }
0x2c: {  	v6 =	vld [tilespmem:s20+$0x6180];
	v1 =	vmax.f32 v1, v9;
	v5 =	vand.u32 $0x7FFFFFFF, v7  }
0x2d: {  	v7 =	vld [tilespmem:s20+$0x6190];
	v2 =	vmax.f32 v2, v5;
	v5 =	vand.u32 $0x7FFFFFFF, v8  }
0x2e: {  	v8 =	vld [tilespmem:s20+$0x61A0];
	v3 =	vmax.f32 v3, v5  }
0x2f: {  	s19 =	simm.s32 $0x0  }
0x30: {  	[tilespmem:s11], [sflag:$0x2] =	stream.linear.gather [hbm4b:s7+s19], $0x6180, $0x38;
	[tilespmem:$0xC480] =	vst v63  }
0x31: {  	_ =	swait.ge [sflag:s13], $0x6180  }
0x32: {  	[sflag:s13] =	ssyncset.done $0x0  }
0x33: {  	s20 =	simm.s32 $0x0;
	[sflag:s13] =	ssyncadd.s32 $0xFFFF9E80  }
0x34: {  	v5 =	vld [tilespmem:s20+$0x30]  }
0x35: {  	v4 =	vand.u32 $0x7FFFFFFF, v4;
	v9 =	vand.u32 $0x7FFFFFFF, v6;
	v6 =	vld [tilespmem:s20+$0x0]  }
0x36: {  	v0 =	vmax.f32 v0, v4;
	v4 =	vand.u32 $0x7FFFFFFF, v7;
	v8 =	vand.u32 $0x7FFFFFFF, v8;
	v7 =	vld [tilespmem:s20+$0x10]  }
0x37: {  	s19 =	simm.s32 $0x100;
	v1 =	vmax.f32 v1, v9;
	v2 =	vmax.f32 v2, v4;
	v3 =	vmax.f32 v3, v8;
	v9 =	vld [tilespmem:s20+$0x20]  }
.LBB2_6:
0x38: {  	p0 =	sne.s32 s19, $0x18500  }
.Ltmp2:
0x39: {  	s20 =	sshra.s32 s19, $0x2;
	s19 =	sadd.s32 $0x100, s19;
	v4 =	vand.u32 $0x7FFFFFFF, v5;
	(pc) =	sbr.rel @p0 .LBB2_6-.Ltmp2, $4  }
0x3a: {  	v5 =	vld [tilespmem:s20+$0x30];
	v8 =	vand.u32 $0x7FFFFFFF, v6;
	v0 =	vmax.f32 v0, v4  }
0x3b: {  	v6 =	vld [tilespmem:s20+$0x0];
	v1 =	vmax.f32 v1, v8;
	v4 =	vand.u32 $0x7FFFFFFF, v7  }
0x3c: {  	v7 =	vld [tilespmem:s20+$0x10];
	v2 =	vmax.f32 v2, v4;
	v4 =	vand.u32 $0x7FFFFFFF, v9  }
0x3d: {  	v9 =	vld [tilespmem:s20+$0x20];
	v3 =	vmax.f32 v3, v4  }
0x3e: {  	s19 =	simm.s32 $0x0  }
0x3f: {  	[tilespmem:s19], [sflag:$0x1] =	stream.linear.gather [hbm4b:s8+s19], $0x6180, $0x38;
	[tilespmem:$0xC480] =	vst v63  }
0x40: {  	_ =	swait.ge [sflag:s14], $0x6180  }
0x41: {  	[sflag:s14] =	ssyncset.done $0x0  }
0x42: {  	s20 =	simm.s32 $0x0;
	[sflag:s14] =	ssyncadd.s32 $0xFFFF9E80  }
0x43: {  	v4 =	vld [tilespmem:s20+$0x61B0]  }
0x44: {  	v5 =	vand.u32 $0x7FFFFFFF, v5;
	v6 =	vand.u32 $0x7FFFFFFF, v6;
	v8 =	vld [tilespmem:s20+$0x6180]  }
0x45: {  	v0 =	vmax.f32 v0, v5;
	v5 =	vand.u32 $0x7FFFFFFF, v7;
	v7 =	vand.u32 $0x7FFFFFFF, v9;
	v9 =	vld [tilespmem:s20+$0x6190]  }
0x46: {  	s19 =	simm.s32 $0x100;
	v1 =	vmax.f32 v1, v6;
	v5 =	vmax.f32 v2, v5;
	v6 =	vmax.f32 v3, v7;
	v10 =	vld [tilespmem:s20+$0x61A0]  }
.LBB2_8:
0x47: {  	p0 =	sne.s32 s19, $0x18500  }
.Ltmp3:
0x48: {  	s20 =	sshra.s32 s19, $0x2;
	s19 =	sadd.s32 $0x100, s19;
	v2 =	vand.u32 $0x7FFFFFFF, v4;
	(pc) =	sbr.rel @p0 .LBB2_8-.Ltmp3, $4  }
0x49: {  	v4 =	vld [tilespmem:s20+$0x61B0];
	v3 =	vand.u32 $0x7FFFFFFF, v8;
	v0 =	vmax.f32 v0, v2  }
0x4a: {  	v8 =	vld [tilespmem:s20+$0x6180];
	v1 =	vmax.f32 v1, v3;
	v2 =	vand.u32 $0x7FFFFFFF, v9  }
0x4b: {  	v9 =	vld [tilespmem:s20+$0x6190];
	v5 =	vmax.f32 v5, v2;
	v2 =	vand.u32 $0x7FFFFFFF, v10  }
0x4c: {  	v10 =	vld [tilespmem:s20+$0x61A0];
	v6 =	vmax.f32 v6, v2  }
0x4d: {  	_ =	swait.ge [sflag:s13], $0x6180  }
0x4e: {  	[sflag:s13] =	ssyncset.done $0x0  }
0x4f: {  	s20 =	simm.s32 $0x0;
	[sflag:s13] =	ssyncadd.s32 $0xFFFF9E80  }
0x50: {  	v2 =	vld [tilespmem:s20+$0x30]  }
0x51: {  	v3 =	vand.u32 $0x7FFFFFFF, v4;
	v8 =	vand.u32 $0x7FFFFFFF, v8;
	v7 =	vld [tilespmem:s20+$0x0]  }
0x52: {  	v3 =	vmax.f32 v0, v3;
	v0 =	vand.u32 $0x7FFFFFFF, v9;
	v4 =	vld [tilespmem:s20+$0x10];
	v9 =	vand.u32 $0x7FFFFFFF, v10  }
0x53: {  	s19 =	simm.s32 $0x100;
	v8 =	vmax.f32 v1, v8;
	v0 =	vmax.f32 v5, v0;
	v5 =	vld [tilespmem:s20+$0x20];
	v1 =	vmax.f32 v6, v9  }
.LBB2_10:
0x54: {  	p0 =	sne.s32 s19, $0x18500  }
.Ltmp4:
0x55: {  	s20 =	sshra.s32 s19, $0x2;
	s19 =	sadd.s32 $0x100, s19;
	v6 =	vand.u32 $0x7FFFFFFF, v2;
	(pc) =	sbr.rel @p0 .LBB2_10-.Ltmp4, $4  }
0x56: {  	v2 =	vld [tilespmem:s20+$0x30];
	v9 =	vand.u32 $0x7FFFFFFF, v7;
	v3 =	vmax.f32 v3, v6  }
0x57: {  	v7 =	vld [tilespmem:s20+$0x0];
	v8 =	vmax.f32 v8, v9;
	v6 =	vand.u32 $0x7FFFFFFF, v4  }
0x58: {  	v4 =	vld [tilespmem:s20+$0x10];
	v0 =	vmax.f32 v0, v6;
	v6 =	vand.u32 $0x7FFFFFFF, v5  }
0x59: {  	v5 =	vld [tilespmem:s20+$0x20];
	v1 =	vmax.f32 v1, v6  }
0x5a: {  	_ =	swait.ge [sflag:s15], $0xC8  }
0x5b: {  	[sflag:s15] =	ssyncset.done $0x0  }
0x5c: {  	[sflag:s15] =	ssyncadd.s32 $0xFFFFFF38  }
0x5d: {  	v6 =	vld [tilespmem:$0xC300]  }
0x5e: {  	v9 =	vld [tilespmem:$0xC310]  }
0x5f: {  	v10 =	vld [tilespmem:$0xC320]  }
0x60: {  	v11 =	vld [tilespmem:$0xC330]  }
0x61: {  	v7 =	vand.u32 $0x7FFFFFFF, v7;
	v12 =	vld [tilespmem:$0xC340]  }
0x62: {  	v7 =	vmax.f32 v8, v7;
	v43 =	vld [tilespmem:$0xC350];
	v6 =	vand.u32 $0x7FFFFFFF, v6  }
0x63: {  	v45 =	vld [tilespmem:$0xC360];
	v44 =	vand.u32 $0x7FFFFFFF, v9;
	v6 =	vmax.f32 v7, v6  }
0x64: {  	v47 =	vld [tilespmem:$0xC370];
	v46 =	vand.u32 $0x7FFFFFFF, v10;
	v6 =	vmax.f32 v6, v44  }
0x65: {  	v49 =	vld [tilespmem:$0xC380];
	v48 =	vand.u32 $0x7FFFFFFF, v11;
	v6 =	vmax.f32 v6, v46  }
0x66: {  	v51 =	vld [tilespmem:$0xC390];
	v50 =	vand.u32 $0x7FFFFFFF, v12;
	v6 =	vmax.f32 v6, v48  }
0x67: {  	v53 =	vld [tilespmem:$0xC3A0];
	v52 =	vand.u32 $0x7FFFFFFF, v43;
	v6 =	vmax.f32 v6, v50  }
0x68: {  	v55 =	vld [tilespmem:$0xC3B0];
	v54 =	vand.u32 $0x7FFFFFFF, v45;
	v6 =	vmax.f32 v6, v52  }
0x69: {  	v57 =	vld [tilespmem:$0xC3B8];
	v56 =	vand.u32 $0x7FFFFFFF, v47;
	v6 =	vmax.f32 v6, v54  }
0x6a: {  	v58 =	vand.u32 $0x7FFFFFFF, v49;
	v6 =	vmax.f32 v6, v56  }
0x6b: {  	v2 =	vand.u32 $0x7FFFFFFF, v2;
	v59 =	vand.u32 $0x7FFFFFFF, v51;
	v6 =	vmax.f32 v6, v58  }
0x6c: {  	v2 =	vmax.f32 v3, v2;
	v61 =	vand.u32 $0x7FFFFFFF, v53;
	v60 =	vmax.f32 v6, v59  }
0x6d: {  	v4 =	vand.u32 $0x7FFFFFFF, v4;
	v62 =	vand.u32 $0x7FFFFFFF, v55;
	v3 =	vmax.f32 v60, v61  }
0x6e: {  	v5 =	vand.u32 $0x7FFFFFFF, v5;
	v63 =	vand.u32 $0x7FFFFFFF, v57;
	v3 =	vmax.f32 v3, v62  }
0x6f: {  	v0 =	vmax.f32 v0, v4;
	v1 =	vmax.f32 v1, v5;
	v3 =	vmax.f32 v3, v63  }
0x70: {  	s18 =	sadd.s32 $0x1, s18;
	v1 =	vmax.f32 v1, v2;
	v0 =	vmax.f32 v3, v0  }
0x71: {  	p0 =	sne.s32 s18, s10;
	v0 =	vmax.f32 v0, v1  }
.Ltmp5:
0x72: {  	[tilespmem:$0xC400] =	vst v0;
	(pc) =	sbr.rel @p0 .LBB2_1-.Ltmp5, $4  }
0x73: {  	[hbm4b:s9+s2] =	stream.linear.scatter [tilespmem:s16], [sflag:$0x4], $0x80, $0x38;
	[tilespmem:$0xC480] =	vst v63  }
0x74: {  	_ =	swait.ge [sflag:s17], $0x80  }
0x75: {  	[sflag:s17] =	ssyncset.done $0x0  }
0x76: {  	[sflag:s17] =	ssyncadd.s32 $0xFFFFFF80  }
0x77: {  	_ =	sfence.sel $0x180000  }
0x78: {  	[bflag:$0x0] =	sbarrier.arrive $0xFFFF  }
0x79: {  	p0 =	sne.s32 s0, $0x0;
	_ =	strace $0x90000047  }
0x7a: {  	s0 =	sadd.s32 @!p0 $0x100000, s1;
	[bflag:$0x2] =	sbarrier.arrive $0xFFFF  }
0x7b: {  	[sflag:s0] =	ssyncadd.tile.s32 @!p0 $0x1;
	_ =	shalt  }
.Lfunc_end2:
_tile_overlayer_lowered:
.L_overlay_start_2:
0x7c: {  	(tag) =	ssettag $0x2  }
0x7d: {  	s0 =	rddreg [dreg:$0x0];
	s2 =	stileid.u32  }
0x7e: {  	s1 =	rddreg [dreg:$0x1];
	p0 =	sne.s32 s2, $0x0  }
0x7f: {  	s3 =	rddreg [dreg:$0x2];
	[bflag:$0x3] =	sbarrier.arrive $0xFFFF;
	s2 =	simm.s32 @!p0 $0x1C04  }
0x80: {  	[timem:s3], [sflag:s2] =	dma.local @!p0 [hbm:s0], s1  }
0x81: {  	s0 =	simm.s32 @!p0 $0x4  }
0x82: {  	_ =	swait.ge @!p0 [sflag:s0], s1  }
0x83: {  	s1 =	ssub.s32 @!p0 $0x0, s1;
	[sflag:s0] =	ssyncset.done @!p0 $0x0  }
0x84: {  	[sflag:s0] =	ssyncadd.s32 @!p0 s1  }
0x85: {  	[bflag:$0x3] =	sbarrier.arrive $0xFFFF  }
0x86: {  	_ =	shalt  }

</sc_bundles>
